<compile_context>
chip_gen: v7x
topology: tpu7x:2x2x1
jax: 0.10.2.dev20260603
libtpu: 0.0.44.dev20260713+nightly
codegen_flags: <defaults>
</compile_context>

<pallas_src>
import functools

import jax
import jax.numpy as jnp
from jax import lax
from jax.experimental import pallas as pl
from jax.experimental.pallas import tpu as pltpu
from jax.experimental.pallas import tpu_sc as plsc


_BC = 131072


def _sc_build_dense():
    mesh = plsc.VectorSubcoreMesh(core_axis_name="c", subcore_axis_name="s")

    @functools.partial(
        pl.kernel,
        out_type=jax.ShapeDtypeStruct((16,), jnp.float32),
        mesh=mesh,
        scratch_types=[pltpu.VMEM((16,), jnp.float32)],
        compiler_params=pltpu.CompilerParams(needs_layout_passes=False),
    )
    def build(out_hbm, buf):
        cid = lax.axis_index("c")
        sid = lax.axis_index("s")

        @pl.when(jnp.logical_and(cid == 0, sid == 0))
        def _():
            lane = lax.broadcasted_iota(jnp.int32, (16,), 0)
            buf[...] = jnp.zeros((16,), jnp.float32)
            idx = jnp.minimum(lane * 5, 15)
            vals = (lane + 1).astype(jnp.float32)
            plsc.addupdate_scatter(buf, [idx], vals, mask=lane < 3)
            pltpu.sync_copy(buf, out_hbm)

    return build()


def _add_body(dense_ref, x_ref, o_ref):
    for j in range(4):
        for k in range(4):
            o_ref[j, k, :] = x_ref[j, k, :] + dense_ref[j * 4 + k]


def kernel(x):
    n = x.shape[0]
    dense16 = _sc_build_dense()
    xt = x.transpose(1, 2, 0)
    bc = min(_BC, n)
    out_t = pl.pallas_call(
        _add_body,
        grid=(n // bc,),
        in_specs=[
            pl.BlockSpec(memory_space=pltpu.SMEM),
            pl.BlockSpec((4, 4, bc), lambda i: (0, 0, i)),
        ],
        out_specs=pl.BlockSpec((4, 4, bc), lambda i: (0, 0, i)),
        out_shape=jax.ShapeDtypeStruct((4, 4, n), x.dtype),
    )(dense16, xt)
    return out_t.transpose(2, 0, 1)

# --- scband reference (transcript-rebuilt; emitter-appended) ---
"""Pipeline reference for scband-my-model-61933428415895 (READ-ONLY COPY).

The authoritative reference and input builder live on the scoring server;
editing this copy changes nothing except your own understanding.
"""

import jax, jax.numpy as jnp
import numpy as np


def _build_dense():
    rows = jnp.array([0, 1, 2], dtype=jnp.int32)
    cols = jnp.array([0, 1, 2], dtype=jnp.int32)
    vals = jnp.array([1, 2, 3], dtype=jnp.float32)
    # scatter-add mimics torch.sparse_coo_tensor(...).to_dense() (coalesce sums dups)
    dense = jnp.zeros((4, 4), dtype=jnp.float32).at[rows, cols].add(vals)
    return dense


def setup_inputs(seed: int = 0) -> dict:
    key = jax.random.key(seed)
    x = jax.random.normal(key, (4194304, 4, 4), dtype=jnp.float32)
    return {"x": x}


def reference(x):
    dense = _build_dense()
    return x + dense

if __name__ == "__main__":
    import jax
    _d = setup_inputs()
    print(jax.jit(kernel)(*tuple(_d.values())))

</pallas_src>

<mosaic_0001>
#map = affine_map<(d0, d1) -> (0)>
module attributes {stable_mosaic.version = 14 : i64} {
  func.func @build(%arg0: i32, %arg1: i32, %arg2: memref<16xf32, #tpu.memory_space<hbm>>, %arg3: memref<16xf32, #tpu.memory_space<vmem>>) attributes {dimension_semantics = [#tpu.dimension_semantics<core_parallel>, #tpu.dimension_semantics<subcore_parallel>], iteration_bounds = array<i64: 2, 16>, scalar_prefetch = 0 : i64, scratch_operands = 1 : i64, tpu.core_type = #tpu.core_type<sc_vector_subcore>, window_params = [{transform_indices = #map}]} {
    %eq3A = arith.constant 0 : i32
    %eq3A_0 = arith.cmpi eq, %arg0, %eq3A : i32
    %eq3A_1 = arith.constant 0 : i32
    %eq3A_2 = arith.cmpi eq, %arg1, %eq3A_1 : i32
    %and3A = arith.andi %eq3A_0, %eq3A_2 : i1
    %convert_element_type3A = arith.extui %and3A : i1 to i32
    %cond3A = arith.constant 0 : i32
    %cond3A_3 = arith.cmpi ne, %convert_element_type3A, %cond3A : i32
    scf.if %cond3A_3 {
      %iota3A = tpu.iota {dimensions = array<i32: 0>} : vector<16xi32>
      %broadcast_in_dim3A = arith.constant 0.000000e+00 : f32
      %broadcast_in_dim3A_4 = vector.broadcast %broadcast_in_dim3A : f32 to vector<16xf32>
      %swap3A = arith.constant 0 : index
      %swap3A_5 = tpu.vector_load %arg3[%swap3A] {strides = array<i32>} : memref<16xf32, #tpu.memory_space<vmem>>, vector<16xf32>,
      tpu.vector_store %arg3[%swap3A], %broadcast_in_dim3A_4 {strides = array<i32>} : memref<16xf32, #tpu.memory_space<vmem>>, vector<16xf32>,
      %mul3A = arith.constant 5 : i32
      %mul3A_6 = vector.broadcast %mul3A : i32 to vector<16xi32>
      %mul3A_7 = arith.muli %iota3A, %mul3A_6 : vector<16xi32>
      %min3A = arith.constant 15 : i32
      %min3A_8 = vector.broadcast %min3A : i32 to vector<16xi32>
      %min3A_9 = arith.minsi %mul3A_7, %min3A_8 : vector<16xi32>
      %add3A = arith.constant 1 : i32
      %add3A_10 = vector.broadcast %add3A : i32 to vector<16xi32>
      %add3A_11 = arith.addi %iota3A, %add3A_10 : vector<16xi32>
      %convert_element_type3A_12 = arith.sitofp %add3A_11 : vector<16xi32> to vector<16xf32>
      %lt3A = arith.constant 3 : i32
      %lt3A_13 = vector.broadcast %lt3A : i32 to vector<16xi32>
      %lt3A_14 = arith.cmpi slt, %iota3A, %lt3A_13 : vector<16xi32>
      tpu.vector_store_idx %arg3[%min3A_9], %convert_element_type3A_12 masked %lt3A_14 {add = true} : memref<16xf32, #tpu.memory_space<vmem>>[vector<16xi32>], vector<16xf32>, vector<16xi1>
      "tpu.region"() ({
        %run_scoped3A = tpu.sem_alloc : memref<!tpu.dma_semaphore, #tpu.memory_space<semaphore_mem>>
        tpu.enqueue_dma source(%arg3 : memref<16xf32, #tpu.memory_space<vmem>>) target(%arg2 : memref<16xf32, #tpu.memory_space<hbm>>) target_semaphore(%run_scoped3A : memref<!tpu.dma_semaphore, #tpu.memory_space<semaphore_mem>>)
        tpu.wait_dma2 semaphore(%run_scoped3A : memref<!tpu.dma_semaphore, #tpu.memory_space<semaphore_mem>>) src(%arg3 : memref<16xf32, #tpu.memory_space<vmem>>) dst(%arg2 : memref<16xf32, #tpu.memory_space<hbm>>)
        tpu.yield
      }) : () -> ()
    } else {
    }
    return
  }
}

module attributes {stable_mosaic.version = 14 : i64} {
  func.func @_add_body(%arg0: i32, %arg1: memref<16xf32, #tpu.memory_space<smem>>, %arg2: memref<4x4x131072xf32, #tpu.memory_space<vmem>>, %arg3: memref<4x4x131072xf32, #tpu.memory_space<vmem>>) attributes {dimension_semantics = [#tpu.dimension_semantics<arbitrary>], iteration_bounds = array<i64: 32>, scalar_prefetch = 0 : i64, scratch_operands = 0 : i64, tpu.core_type = #tpu.core_type<tc>, window_params = [{transform_indices = @transform_0, window_bounds = array<i64: 16>}, {transform_indices = @transform_1, window_bounds = array<i64: 4, 4, 131072>}, {transform_indices = @transform_2, window_bounds = array<i64: 4, 4, 131072>}]} {
    %get3A = arith.constant 0 : index
    %get3A_0 = arith.constant 0 : index
    %get3A_1 = arith.constant 0 : index
    %get3A_2 = vector.load %arg2[%get3A, %get3A_0, %get3A_1] : memref<4x4x131072xf32, #tpu.memory_space<vmem>>, vector<1x1x131072xf32>
    %get3A_3 = vector.shape_cast %get3A_2 : vector<1x1x131072xf32> to vector<131072xf32>
    %get3A_4 = arith.constant 0 : index
    %get3A_5 = memref.load %arg1[%get3A_4] : memref<16xf32, #tpu.memory_space<smem>>
    %add3A = vector.broadcast %get3A_5 : f32 to vector<131072xf32>
    %add3A_6 = arith.addf %get3A_3, %add3A : vector<131072xf32>
    %swap3A = arith.constant 0 : index
    %swap3A_7 = arith.constant 0 : index
    %swap3A_8 = arith.constant 0 : index
    %swap3A_9 = vector.load %arg3[%swap3A, %swap3A_7, %swap3A_8] : memref<4x4x131072xf32, #tpu.memory_space<vmem>>, vector<1x1x131072xf32>
    %swap3A_10 = vector.shape_cast %swap3A_9 : vector<1x1x131072xf32> to vector<131072xf32>
    %swap3A_11 = vector.shape_cast %add3A_6 : vector<131072xf32> to vector<1x1x131072xf32>
    tpu.vector_store %arg3[%swap3A, %swap3A_7, %swap3A_8], %swap3A_11 {strides = array<i32>} : memref<4x4x131072xf32, #tpu.memory_space<vmem>>, vector<1x1x131072xf32>,
    %get3A_12 = arith.constant 0 : index
    %get3A_13 = arith.constant 1 : index
    %get3A_14 = arith.constant 0 : index
    %get3A_15 = vector.load %arg2[%get3A_12, %get3A_13, %get3A_14] : memref<4x4x131072xf32, #tpu.memory_space<vmem>>, vector<1x1x131072xf32>
    %get3A_16 = vector.shape_cast %get3A_15 : vector<1x1x131072xf32> to vector<131072xf32>
    %get3A_17 = arith.constant 1 : index
    %get3A_18 = memref.load %arg1[%get3A_17] : memref<16xf32, #tpu.memory_space<smem>>
    %add3A_19 = vector.broadcast %get3A_18 : f32 to vector<131072xf32>
    %add3A_20 = arith.addf %get3A_16, %add3A_19 : vector<131072xf32>
    %swap3A_21 = arith.constant 0 : index
    %swap3A_22 = arith.constant 1 : index
    %swap3A_23 = arith.constant 0 : index
    %swap3A_24 = vector.load %arg3[%swap3A_21, %swap3A_22, %swap3A_23] : memref<4x4x131072xf32, #tpu.memory_space<vmem>>, vector<1x1x131072xf32>
    %swap3A_25 = vector.shape_cast %swap3A_24 : vector<1x1x131072xf32> to vector<131072xf32>
    %swap3A_26 = vector.shape_cast %add3A_20 : vector<131072xf32> to vector<1x1x131072xf32>
    tpu.vector_store %arg3[%swap3A_21, %swap3A_22, %swap3A_23], %swap3A_26 {strides = array<i32>} : memref<4x4x131072xf32, #tpu.memory_space<vmem>>, vector<1x1x131072xf32>,
    %get3A_27 = arith.constant 0 : index
    %get3A_28 = arith.constant 2 : index
    %get3A_29 = arith.constant 0 : index
    %get3A_30 = vector.load %arg2[%get3A_27, %get3A_28, %get3A_29] : memref<4x4x131072xf32, #tpu.memory_space<vmem>>, vector<1x1x131072xf32>
    %get3A_31 = vector.shape_cast %get3A_30 : vector<1x1x131072xf32> to vector<131072xf32>
    %get3A_32 = arith.constant 2 : index
    %get3A_33 = memref.load %arg1[%get3A_32] : memref<16xf32, #tpu.memory_space<smem>>
    %add3A_34 = vector.broadcast %get3A_33 : f32 to vector<131072xf32>
    %add3A_35 = arith.addf %get3A_31, %add3A_34 : vector<131072xf32>
    %swap3A_36 = arith.constant 0 : index
    %swap3A_37 = arith.constant 2 : index
    %swap3A_38 = arith.constant 0 : index
    %swap3A_39 = vector.load %arg3[%swap3A_36, %swap3A_37, %swap3A_38] : memref<4x4x131072xf32, #tpu.memory_space<vmem>>, vector<1x1x131072xf32>
    %swap3A_40 = vector.shape_cast %swap3A_39 : vector<1x1x131072xf32> to vector<131072xf32>
    %swap3A_41 = vector.shape_cast %add3A_35 : vector<131072xf32> to vector<1x1x131072xf32>
    tpu.vector_store %arg3[%swap3A_36, %swap3A_37, %swap3A_38], %swap3A_41 {strides = array<i32>} : memref<4x4x131072xf32, #tpu.memory_space<vmem>>, vector<1x1x131072xf32>,
    %get3A_42 = arith.constant 0 : index
    %get3A_43 = arith.constant 3 : index
    %get3A_44 = arith.constant 0 : index
    %get3A_45 = vector.load %arg2[%get3A_42, %get3A_43, %get3A_44] : memref<4x4x131072xf32, #tpu.memory_space<vmem>>, vector<1x1x131072xf32>
    %get3A_46 = vector.shape_cast %get3A_45 : vector<1x1x131072xf32> to vector<131072xf32>
    %get3A_47 = arith.constant 3 : index
    %get3A_48 = memref.load %arg1[%get3A_47] : memref<16xf32, #tpu.memory_space<smem>>
    %add3A_49 = vector.broadcast %get3A_48 : f32 to vector<131072xf32>
    %add3A_50 = arith.addf %get3A_46, %add3A_49 : vector<131072xf32>
    %swap3A_51 = arith.constant 0 : index
    %swap3A_52 = arith.constant 3 : index
    %swap3A_53 = arith.constant 0 : index
    %swap3A_54 = vector.load %arg3[%swap3A_51, %swap3A_52, %swap3A_53] : memref<4x4x131072xf32, #tpu.memory_space<vmem>>, vector<1x1x131072xf32>
    %swap3A_55 = vector.shape_cast %swap3A_54 : vector<1x1x131072xf32> to vector<131072xf32>
    %swap3A_56 = vector.shape_cast %add3A_50 : vector<131072xf32> to vector<1x1x131072xf32>
    tpu.vector_store %arg3[%swap3A_51, %swap3A_52, %swap3A_53], %swap3A_56 {strides = array<i32>} : memref<4x4x131072xf32, #tpu.memory_space<vmem>>, vector<1x1x131072xf32>,
    %get3A_57 = arith.constant 1 : index
    %get3A_58 = arith.constant 0 : index
    %get3A_59 = arith.constant 0 : index
    %get3A_60 = vector.load %arg2[%get3A_57, %get3A_58, %get3A_59] : memref<4x4x131072xf32, #tpu.memory_space<vmem>>, vector<1x1x131072xf32>
    %get3A_61 = vector.shape_cast %get3A_60 : vector<1x1x131072xf32> to vector<131072xf32>
    %get3A_62 = arith.constant 4 : index
    %get3A_63 = memref.load %arg1[%get3A_62] : memref<16xf32, #tpu.memory_space<smem>>
    %add3A_64 = vector.broadcast %get3A_63 : f32 to vector<131072xf32>
    %add3A_65 = arith.addf %get3A_61, %add3A_64 : vector<131072xf32>
    %swap3A_66 = arith.constant 1 : index
    %swap3A_67 = arith.constant 0 : index
    %swap3A_68 = arith.constant 0 : index
    %swap3A_69 = vector.load %arg3[%swap3A_66, %swap3A_67, %swap3A_68] : memref<4x4x131072xf32, #tpu.memory_space<vmem>>, vector<1x1x131072xf32>
    %swap3A_70 = vector.shape_cast %swap3A_69 : vector<1x1x131072xf32> to vector<131072xf32>
    %swap3A_71 = vector.shape_cast %add3A_65 : vector<131072xf32> to vector<1x1x131072xf32>
    tpu.vector_store %arg3[%swap3A_66, %swap3A_67, %swap3A_68], %swap3A_71 {strides = array<i32>} : memref<4x4x131072xf32, #tpu.memory_space<vmem>>, vector<1x1x131072xf32>,
    %get3A_72 = arith.constant 1 : index
    %get3A_73 = arith.constant 1 : index
    %get3A_74 = arith.constant 0 : index
    %get3A_75 = vector.load %arg2[%get3A_72, %get3A_73, %get3A_74] : memref<4x4x131072xf32, #tpu.memory_space<vmem>>, vector<1x1x131072xf32>
    %get3A_76 = vector.shape_cast %get3A_75 : vector<1x1x131072xf32> to vector<131072xf32>
    %get3A_77 = arith.constant 5 : index
    %get3A_78 = memref.load %arg1[%get3A_77] : memref<16xf32, #tpu.memory_space<smem>>
    %add3A_79 = vector.broadcast %get3A_78 : f32 to vector<131072xf32>
    %add3A_80 = arith.addf %get3A_76, %add3A_79 : vector<131072xf32>
    %swap3A_81 = arith.constant 1 : index
    %swap3A_82 = arith.constant 1 : index
    %swap3A_83 = arith.constant 0 : index
    %swap3A_84 = vector.load %arg3[%swap3A_81, %swap3A_82, %swap3A_83] : memref<4x4x131072xf32, #tpu.memory_space<vmem>>, vector<1x1x131072xf32>
    %swap3A_85 = vector.shape_cast %swap3A_84 : vector<1x1x131072xf32> to vector<131072xf32>
    %swap3A_86 = vector.shape_cast %add3A_80 : vector<131072xf32> to vector<1x1x131072xf32>
    tpu.vector_store %arg3[%swap3A_81, %swap3A_82, %swap3A_83], %swap3A_86 {strides = array<i32>} : memref<4x4x131072xf32, #tpu.memory_space<vmem>>, vector<1x1x131072xf32>,
    %get3A_87 = arith.constant 1 : index
    %get3A_88 = arith.constant 2 : index
    %get3A_89 = arith.constant 0 : index
    %get3A_90 = vector.load %arg2[%get3A_87, %get3A_88, %get3A_89] : memref<4x4x131072xf32, #tpu.memory_space<vmem>>, vector<1x1x131072xf32>
    %get3A_91 = vector.shape_cast %get3A_90 : vector<1x1x131072xf32> to vector<131072xf32>
    %get3A_92 = arith.constant 6 : index
    %get3A_93 = memref.load %arg1[%get3A_92] : memref<16xf32, #tpu.memory_space<smem>>
    %add3A_94 = vector.broadcast %get3A_93 : f32 to vector<131072xf32>
    %add3A_95 = arith.addf %get3A_91, %add3A_94 : vector<131072xf32>
    %swap3A_96 = arith.constant 1 : index
    %swap3A_97 = arith.constant 2 : index
    %swap3A_98 = arith.constant 0 : index
    %swap3A_99 = vector.load %arg3[%swap3A_96, %swap3A_97, %swap3A_98] : memref<4x4x131072xf32, #tpu.memory_space<vmem>>, vector<1x1x131072xf32>
    %swap3A_100 = vector.shape_cast %swap3A_99 : vector<1x1x131072xf32> to vector<131072xf32>
    %swap3A_101 = vector.shape_cast %add3A_95 : vector<131072xf32> to vector<1x1x131072xf32>
    tpu.vector_store %arg3[%swap3A_96, %swap3A_97, %swap3A_98], %swap3A_101 {strides = array<i32>} : memref<4x4x131072xf32, #tpu.memory_space<vmem>>, vector<1x1x131072xf32>,
    %get3A_102 = arith.constant 1 : index
    %get3A_103 = arith.constant 3 : index
    %get3A_104 = arith.constant 0 : index
    %get3A_105 = vector.load %arg2[%get3A_102, %get3A_103, %get3A_104] : memref<4x4x131072xf32, #tpu.memory_space<vmem>>, vector<1x1x131072xf32>
    %get3A_106 = vector.shape_cast %get3A_105 : vector<1x1x131072xf32> to vector<131072xf32>
    %get3A_107 = arith.constant 7 : index
    %get3A_108 = memref.load %arg1[%get3A_107] : memref<16xf32, #tpu.memory_space<smem>>
    %add3A_109 = vector.broadcast %get3A_108 : f32 to vector<131072xf32>
    %add3A_110 = arith.addf %get3A_106, %add3A_109 : vector<131072xf32>
    %swap3A_111 = arith.constant 1 : index
    %swap3A_112 = arith.constant 3 : index
    %swap3A_113 = arith.constant 0 : index
    %swap3A_114 = vector.load %arg3[%swap3A_111, %swap3A_112, %swap3A_113] : memref<4x4x131072xf32, #tpu.memory_space<vmem>>, vector<1x1x131072xf32>
    %swap3A_115 = vector.shape_cast %swap3A_114 : vector<1x1x131072xf32> to vector<131072xf32>
    %swap3A_116 = vector.shape_cast %add3A_110 : vector<131072xf32> to vector<1x1x131072xf32>
    tpu.vector_store %arg3[%swap3A_111, %swap3A_112, %swap3A_113], %swap3A_116 {strides = array<i32>} : memref<4x4x131072xf32, #tpu.memory_space<vmem>>, vector<1x1x131072xf32>,
    %get3A_117 = arith.constant 2 : index
    %get3A_118 = arith.constant 0 : index
    %get3A_119 = arith.constant 0 : index
    %get3A_120 = vector.load %arg2[%get3A_117, %get3A_118, %get3A_119] : memref<4x4x131072xf32, #tpu.memory_space<vmem>>, vector<1x1x131072xf32>
    %get3A_121 = vector.shape_cast %get3A_120 : vector<1x1x131072xf32> to vector<131072xf32>
    %get3A_122 = arith.constant 8 : index
    %get3A_123 = memref.load %arg1[%get3A_122] : memref<16xf32, #tpu.memory_space<smem>>
    %add3A_124 = vector.broadcast %get3A_123 : f32 to vector<131072xf32>
    %add3A_125 = arith.addf %get3A_121, %add3A_124 : vector<131072xf32>
    %swap3A_126 = arith.constant 2 : index
    %swap3A_127 = arith.constant 0 : index
    %swap3A_128 = arith.constant 0 : index
    %swap3A_129 = vector.load %arg3[%swap3A_126, %swap3A_127, %swap3A_128] : memref<4x4x131072xf32, #tpu.memory_space<vmem>>, vector<1x1x131072xf32>
    %swap3A_130 = vector.shape_cast %swap3A_129 : vector<1x1x131072xf32> to vector<131072xf32>
    %swap3A_131 = vector.shape_cast %add3A_125 : vector<131072xf32> to vector<1x1x131072xf32>
    tpu.vector_store %arg3[%swap3A_126, %swap3A_127, %swap3A_128], %swap3A_131 {strides = array<i32>} : memref<4x4x131072xf32, #tpu.memory_space<vmem>>, vector<1x1x131072xf32>,
    %get3A_132 = arith.constant 2 : index
    %get3A_133 = arith.constant 1 : index
    %get3A_134 = arith.constant 0 : index
    %get3A_135 = vector.load %arg2[%get3A_132, %get3A_133, %get3A_134] : memref<4x4x131072xf32, #tpu.memory_space<vmem>>, vector<1x1x131072xf32>
    %get3A_136 = vector.shape_cast %get3A_135 : vector<1x1x131072xf32> to vector<131072xf32>
    %get3A_137 = arith.constant 9 : index
    %get3A_138 = memref.load %arg1[%get3A_137] : memref<16xf32, #tpu.memory_space<smem>>
    %add3A_139 = vector.broadcast %get3A_138 : f32 to vector<131072xf32>
    %add3A_140 = arith.addf %get3A_136, %add3A_139 : vector<131072xf32>
    %swap3A_141 = arith.constant 2 : index
    %swap3A_142 = arith.constant 1 : index
    %swap3A_143 = arith.constant 0 : index
    %swap3A_144 = vector.load %arg3[%swap3A_141, %swap3A_142, %swap3A_143] : memref<4x4x131072xf32, #tpu.memory_space<vmem>>, vector<1x1x131072xf32>
    %swap3A_145 = vector.shape_cast %swap3A_144 : vector<1x1x131072xf32> to vector<131072xf32>
    %swap3A_146 = vector.shape_cast %add3A_140 : vector<131072xf32> to vector<1x1x131072xf32>
    tpu.vector_store %arg3[%swap3A_141, %swap3A_142, %swap3A_143], %swap3A_146 {strides = array<i32>} : memref<4x4x131072xf32, #tpu.memory_space<vmem>>, vector<1x1x131072xf32>,
    %get3A_147 = arith.constant 2 : index
    %get3A_148 = arith.constant 2 : index
    %get3A_149 = arith.constant 0 : index
    %get3A_150 = vector.load %arg2[%get3A_147, %get3A_148, %get3A_149] : memref<4x4x131072xf32, #tpu.memory_space<vmem>>, vector<1x1x131072xf32>
    %get3A_151 = vector.shape_cast %get3A_150 : vector<1x1x131072xf32> to vector<131072xf32>
    %get3A_152 = arith.constant 10 : index
    %get3A_153 = memref.load %arg1[%get3A_152] : memref<16xf32, #tpu.memory_space<smem>>
    %add3A_154 = vector.broadcast %get3A_153 : f32 to vector<131072xf32>
    %add3A_155 = arith.addf %get3A_151, %add3A_154 : vector<131072xf32>
    %swap3A_156 = arith.constant 2 : index
    %swap3A_157 = arith.constant 2 : index
    %swap3A_158 = arith.constant 0 : index
    %swap3A_159 = vector.load %arg3[%swap3A_156, %swap3A_157, %swap3A_158] : memref<4x4x131072xf32, #tpu.memory_space<vmem>>, vector<1x1x131072xf32>
    %swap3A_160 = vector.shape_cast %swap3A_159 : vector<1x1x131072xf32> to vector<131072xf32>
    %swap3A_161 = vector.shape_cast %add3A_155 : vector<131072xf32> to vector<1x1x131072xf32>
    tpu.vector_store %arg3[%swap3A_156, %swap3A_157, %swap3A_158], %swap3A_161 {strides = array<i32>} : memref<4x4x131072xf32, #tpu.memory_space<vmem>>, vector<1x1x131072xf32>,
    %get3A_162 = arith.constant 2 : index
    %get3A_163 = arith.constant 3 : index
    %get3A_164 = arith.constant 0 : index
    %get3A_165 = vector.load %arg2[%get3A_162, %get3A_163, %get3A_164] : memref<4x4x131072xf32, #tpu.memory_space<vmem>>, vector<1x1x131072xf32>
    %get3A_166 = vector.shape_cast %get3A_165 : vector<1x1x131072xf32> to vector<131072xf32>
    %get3A_167 = arith.constant 11 : index
    %get3A_168 = memref.load %arg1[%get3A_167] : memref<16xf32, #tpu.memory_space<smem>>
    %add3A_169 = vector.broadcast %get3A_168 : f32 to vector<131072xf32>
    %add3A_170 = arith.addf %get3A_166, %add3A_169 : vector<131072xf32>
    %swap3A_171 = arith.constant 2 : index
    %swap3A_172 = arith.constant 3 : index
    %swap3A_173 = arith.constant 0 : index
    %swap3A_174 = vector.load %arg3[%swap3A_171, %swap3A_172, %swap3A_173] : memref<4x4x131072xf32, #tpu.memory_space<vmem>>, vector<1x1x131072xf32>
    %swap3A_175 = vector.shape_cast %swap3A_174 : vector<1x1x131072xf32> to vector<131072xf32>
    %swap3A_176 = vector.shape_cast %add3A_170 : vector<131072xf32> to vector<1x1x131072xf32>
    tpu.vector_store %arg3[%swap3A_171, %swap3A_172, %swap3A_173], %swap3A_176 {strides = array<i32>} : memref<4x4x131072xf32, #tpu.memory_space<vmem>>, vector<1x1x131072xf32>,
    %get3A_177 = arith.constant 3 : index
    %get3A_178 = arith.constant 0 : index
    %get3A_179 = arith.constant 0 : index
    %get3A_180 = vector.load %arg2[%get3A_177, %get3A_178, %get3A_179] : memref<4x4x131072xf32, #tpu.memory_space<vmem>>, vector<1x1x131072xf32>
    %get3A_181 = vector.shape_cast %get3A_180 : vector<1x1x131072xf32> to vector<131072xf32>
    %get3A_182 = arith.constant 12 : index
    %get3A_183 = memref.load %arg1[%get3A_182] : memref<16xf32, #tpu.memory_space<smem>>
    %add3A_184 = vector.broadcast %get3A_183 : f32 to vector<131072xf32>
    %add3A_185 = arith.addf %get3A_181, %add3A_184 : vector<131072xf32>
    %swap3A_186 = arith.constant 3 : index
    %swap3A_187 = arith.constant 0 : index
    %swap3A_188 = arith.constant 0 : index
    %swap3A_189 = vector.load %arg3[%swap3A_186, %swap3A_187, %swap3A_188] : memref<4x4x131072xf32, #tpu.memory_space<vmem>>, vector<1x1x131072xf32>
    %swap3A_190 = vector.shape_cast %swap3A_189 : vector<1x1x131072xf32> to vector<131072xf32>
    %swap3A_191 = vector.shape_cast %add3A_185 : vector<131072xf32> to vector<1x1x131072xf32>
    tpu.vector_store %arg3[%swap3A_186, %swap3A_187, %swap3A_188], %swap3A_191 {strides = array<i32>} : memref<4x4x131072xf32, #tpu.memory_space<vmem>>, vector<1x1x131072xf32>,
    %get3A_192 = arith.constant 3 : index
    %get3A_193 = arith.constant 1 : index
    %get3A_194 = arith.constant 0 : index
    %get3A_195 = vector.load %arg2[%get3A_192, %get3A_193, %get3A_194] : memref<4x4x131072xf32, #tpu.memory_space<vmem>>, vector<1x1x131072xf32>
    %get3A_196 = vector.shape_cast %get3A_195 : vector<1x1x131072xf32> to vector<131072xf32>
    %get3A_197 = arith.constant 13 : index
    %get3A_198 = memref.load %arg1[%get3A_197] : memref<16xf32, #tpu.memory_space<smem>>
    %add3A_199 = vector.broadcast %get3A_198 : f32 to vector<131072xf32>
    %add3A_200 = arith.addf %get3A_196, %add3A_199 : vector<131072xf32>
    %swap3A_201 = arith.constant 3 : index
    %swap3A_202 = arith.constant 1 : index
    %swap3A_203 = arith.constant 0 : index
    %swap3A_204 = vector.load %arg3[%swap3A_201, %swap3A_202, %swap3A_203] : memref<4x4x131072xf32, #tpu.memory_space<vmem>>, vector<1x1x131072xf32>
    %swap3A_205 = vector.shape_cast %swap3A_204 : vector<1x1x131072xf32> to vector<131072xf32>
    %swap3A_206 = vector.shape_cast %add3A_200 : vector<131072xf32> to vector<1x1x131072xf32>
    tpu.vector_store %arg3[%swap3A_201, %swap3A_202, %swap3A_203], %swap3A_206 {strides = array<i32>} : memref<4x4x131072xf32, #tpu.memory_space<vmem>>, vector<1x1x131072xf32>,
    %get3A_207 = arith.constant 3 : index
    %get3A_208 = arith.constant 2 : index
    %get3A_209 = arith.constant 0 : index
    %get3A_210 = vector.load %arg2[%get3A_207, %get3A_208, %get3A_209] : memref<4x4x131072xf32, #tpu.memory_space<vmem>>, vector<1x1x131072xf32>
    %get3A_211 = vector.shape_cast %get3A_210 : vector<1x1x131072xf32> to vector<131072xf32>
    %get3A_212 = arith.constant 14 : index
    %get3A_213 = memref.load %arg1[%get3A_212] : memref<16xf32, #tpu.memory_space<smem>>
    %add3A_214 = vector.broadcast %get3A_213 : f32 to vector<131072xf32>
    %add3A_215 = arith.addf %get3A_211, %add3A_214 : vector<131072xf32>
    %swap3A_216 = arith.constant 3 : index
    %swap3A_217 = arith.constant 2 : index
    %swap3A_218 = arith.constant 0 : index
    %swap3A_219 = vector.load %arg3[%swap3A_216, %swap3A_217, %swap3A_218] : memref<4x4x131072xf32, #tpu.memory_space<vmem>>, vector<1x1x131072xf32>
    %swap3A_220 = vector.shape_cast %swap3A_219 : vector<1x1x131072xf32> to vector<131072xf32>
    %swap3A_221 = vector.shape_cast %add3A_215 : vector<131072xf32> to vector<1x1x131072xf32>
    tpu.vector_store %arg3[%swap3A_216, %swap3A_217, %swap3A_218], %swap3A_221 {strides = array<i32>} : memref<4x4x131072xf32, #tpu.memory_space<vmem>>, vector<1x1x131072xf32>,
    %get3A_222 = arith.constant 3 : index
    %get3A_223 = arith.constant 3 : index
    %get3A_224 = arith.constant 0 : index
    %get3A_225 = vector.load %arg2[%get3A_222, %get3A_223, %get3A_224] : memref<4x4x131072xf32, #tpu.memory_space<vmem>>, vector<1x1x131072xf32>
    %get3A_226 = vector.shape_cast %get3A_225 : vector<1x1x131072xf32> to vector<131072xf32>
    %get3A_227 = arith.constant 15 : index
    %get3A_228 = memref.load %arg1[%get3A_227] : memref<16xf32, #tpu.memory_space<smem>>
    %add3A_229 = vector.broadcast %get3A_228 : f32 to vector<131072xf32>
    %add3A_230 = arith.addf %get3A_226, %add3A_229 : vector<131072xf32>
    %swap3A_231 = arith.constant 3 : index
    %swap3A_232 = arith.constant 3 : index
    %swap3A_233 = arith.constant 0 : index
    %swap3A_234 = vector.load %arg3[%swap3A_231, %swap3A_232, %swap3A_233] : memref<4x4x131072xf32, #tpu.memory_space<vmem>>, vector<1x1x131072xf32>
    %swap3A_235 = vector.shape_cast %swap3A_234 : vector<1x1x131072xf32> to vector<131072xf32>
    %swap3A_236 = vector.shape_cast %add3A_230 : vector<131072xf32> to vector<1x1x131072xf32>
    tpu.vector_store %arg3[%swap3A_231, %swap3A_232, %swap3A_233], %swap3A_236 {strides = array<i32>} : memref<4x4x131072xf32, #tpu.memory_space<vmem>>, vector<1x1x131072xf32>,
    return
  }
  func.func @transform_0(%arg0: i32) -> i32 {
    %c0_i32 = arith.constant 0 : i32
    %c0_i32_0 = arith.constant 0 : i32
    return %c0_i32 : i32
  }
  func.func @transform_1(%arg0: i32) -> (i32, i32, i32) {
    %c0_i32 = arith.constant 0 : i32
    %c0_i32_0 = arith.constant 0 : i32
    %c0_i32_1 = arith.constant 0 : i32
    return %c0_i32, %c0_i32_0, %arg0 : i32, i32, i32
  }
  func.func @transform_2(%arg0: i32) -> (i32, i32, i32) {
    %c0_i32 = arith.constant 0 : i32
    %c0_i32_0 = arith.constant 0 : i32
    %c0_i32_1 = arith.constant 0 : i32
    return %c0_i32, %c0_i32_0, %arg0 : i32, i32, i32
  }
}

</mosaic_0001>

<sc_bundles>
// kernel: kernel.4.cloned.1.call-start
scs
__scs_entry_jumppad:
0x0: {  	(pc) =	sbr.rel $0x88, $3  }
0x1: {  	(tag) =	ssettag $0x0;
	lr =	simm.s32 $0x1  }
0x2: {  	[smem:$0x3FA0] =	sst lr;
	_ =	strace $0xD0000000  }
0x3: {  	_ = 	snop  }
0x4: {  	_ = 	snop  }
0x5: {  	_ = 	snop  }
0x6: {  	_ = 	snop  }
0x7: {  	_ = 	snop  }
__scs_overlays_trampoline_lowered:
0x8: {  	[smem:$0x3FAF] =	sst s0  }
0x9: {  	[smem:$0x3FB0] =	sst s1  }
0xa: {  	[smem:$0x3FB1] =	sst s2  }
0xb: {  	[smem:$0x3FB2] =	sst s3  }
0xc: {  	[smem:$0x3FB3] =	sst s4  }
0xd: {  	[smem:$0x3FB4] =	sst s5  }
0xe: {  	[smem:$0x3FB5] =	sst s6  }
0xf: {  	[smem:$0x3FB6] =	sst s7  }
0x10: {  	[smem:$0x3FB7] =	sst s8  }
0x11: {  	[smem:$0x3FB8] =	sst s9;
	s0 =	simm.s32 @!p0 $0x0  }
0x12: {  	s1 =	sld [smem:$0x3F9E];
	s0 =	simm.s32 @p0 $0x1  }
0x13: {  	[smem:$0x3FB9] =	sst s0;
	s0 =	simm.s32 @!p1 $0x0  }
0x14: {  	s2 =	sld [smem:$0x3F9D];
	s0 =	simm.s32 @p1 $0x1  }
0x15: {  	[smem:$0x3FBA] =	sst s0;
	s0 =	simm.s32 @!p2 $0x0  }
0x16: {  	s3 =	sld [smem:$0x3FDB];
	s0 =	simm.s32 @p2 $0x1  }
0x17: {  	s4 =	simm.s32 $0x1BF5;
	[smem:$0x3FBC] =	sst s0  }
0x18: {  	s0 =	sld [smem:$0x3F9F];
	_ =	swait.ge [sflag:s4], $0x0  }
0x19: {  	s7 =	sld [smem:$0x3FA0]  }
0x1a: {  	s8 =	sadd.s32 $0xFFFFE003, lr  }
0x1b: {  	s9 =	sadd.s32 $0xFFFFFEF7, lr;
	s5 =	simm.s32 $0xFFFFFFFF;
	p2 =	slt.u32 s8, $0xFFFFF086  }
0x1c: {  	p1 =	slt.u32 s9, $0xF7A;
	s5 =	simm.s32 @!p2 $0x0  }
0x1d: {  	s5 =	simm.s32 @p1 $0x1;
	p0 =	seq.s32 s7, s2  }
0x1e: {  	s7 =	smul.u32 @!p0 $0xF7A, s2;
	p2 =	seq.s32 @!p0 s5, $0x0  }
0x1f: {  	s9 =	smul.u32 $0xF7A, s1;
	s8 =	simm.s32 @!p0 $0x1BF5;
	p2 =	por !p2, p0  }
0x20: {  	[sflag:s8] =	ssyncset.s32 @!p0 $0xFFFFF086;
	s6 =	sadd.s32 @!p0 s3, s7;
	s7 =	simm.s32 @!p0 $0x108  }
0x21: {  	s3 =	sadd.s32 s3, s9;
	s6 =	sadd.s32 @!p0 $0x88, s6;
	s7 =	simm.s32 @p2 $0x1082  }
0x22: {  	[simem:s7], [sflag:s8] =	dma.local @!p0 [hbm:s6], $0xF7A  }
0x23: {  	s9 =	sor.u32 $0xD0000000, s2;
	s6 =	simm.s32 $0x108;
	_ =	swait.ge @!p0 [sflag:s8], $0x0  }
0x24: {  	s3 =	sadd.s32 $0x88, s3;
	s6 =	simm.s32 @!p1 $0x1082;
	[sflag:s4] =	ssyncset.s32 $0xFFFFF086  }
0x25: {  	[simem:s6], [sflag:s4] =	dma.local [hbm:s3], $0xF7A  }
0x26: {  	[smem:$0x3FA0] =	sst s1;
	(tag) =	ssettag s2;
	_ =	strace s9  }
0x27: {  	s1 =	sld [smem:$0x3FB0]  }
0x28: {  	s2 =	sld [smem:$0x3FB1]  }
0x29: {  	s4 =	sld [smem:$0x3FB3]  }
0x2a: {  	p0 =	seq.s32 s5, $0x0;
	s5 =	sld [smem:$0x3FB4]  }
0x2b: {  	s6 =	sld [smem:$0x3FB5]  }
0x2c: {  	s7 =	sld [smem:$0x3FB6]  }
0x2d: {  	s3 =	simm.s32 $0x108;
	s8 =	sld [smem:$0x3FB7]  }
0x2e: {  	s3 =	simm.s32 @!p0 $0x1082;
	s9 =	sld [smem:$0x3FB8]  }
0x2f: {  	lr =	sadd.s32 s0, s3;
	s0 =	sld [smem:$0x3FAF]  }
0x30: {  	s3 =	sld [smem:$0x3FB2]  }
0x31: {  	[smem:$0x3FBB] =	sst s10  }
0x32: {  	s10 =	sld [smem:$0x3FB9];
	_ =	sdelay $0x3  }
0x33: {  	p0 =	seq.s32 s10, $0x1;
	s10 =	sld [smem:$0x3FBB];
	_ =	sdelay $0x3  }
0x34: {  	[smem:$0x3FBB] =	sst s10  }
0x35: {  	s10 =	sld [smem:$0x3FBA];
	_ =	sdelay $0x3  }
0x36: {  	p1 =	seq.s32 s10, $0x1;
	s10 =	sld [smem:$0x3FBB];
	_ =	sdelay $0x3  }
0x37: {  	[smem:$0x3FBB] =	sst s10  }
0x38: {  	s10 =	sld [smem:$0x3FBC]  }
0x39: {  	_ = 	snop;
	(pc) =	sbr.ind lr, $3  }
0x3a: {  	_ = 	snop  }
0x3b: {  	_ = 	snop  }
0x3c: {  	p2 =	seq.s32 s10, $0x1;
	s10 =	sld [smem:$0x3FBB]  }
0x3d: {  	_ =	shalt  }
0x3e: {  	_ =	shalt  }
0x3f: {  	_ =	shalt  }
0x40: {  	_ =	shalt  }
0x41: {  	_ =	shalt  }
0x42: {  	_ =	shalt  }
0x43: {  	_ =	shalt  }
0x44: {  	_ =	shalt  }
0x45: {  	_ =	shalt  }
0x46: {  	_ =	shalt  }
0x47: {  	_ =	shalt  }
0x48: {  	_ =	shalt  }
0x49: {  	_ =	shalt  }
0x4a: {  	_ =	shalt  }
0x4b: {  	_ =	shalt  }
0x4c: {  	_ =	shalt  }
0x4d: {  	_ =	shalt  }
0x4e: {  	_ =	shalt  }
0x4f: {  	_ =	shalt  }
0x50: {  	_ =	shalt  }
0x51: {  	_ =	shalt  }
0x52: {  	_ =	shalt  }
0x53: {  	_ =	shalt  }
0x54: {  	_ =	shalt  }
0x55: {  	_ =	shalt  }
0x56: {  	_ =	shalt  }
0x57: {  	_ =	shalt  }
0x58: {  	_ =	shalt  }
0x59: {  	_ =	shalt  }
0x5a: {  	_ =	shalt  }
0x5b: {  	_ =	shalt  }
0x5c: {  	_ =	shalt  }
0x5d: {  	_ =	shalt  }
0x5e: {  	_ =	shalt  }
0x5f: {  	_ =	shalt  }
0x60: {  	_ =	shalt  }
0x61: {  	_ =	shalt  }
0x62: {  	_ =	shalt  }
0x63: {  	_ =	shalt  }
0x64: {  	_ =	shalt  }
0x65: {  	_ =	shalt  }
0x66: {  	_ =	shalt  }
0x67: {  	_ =	shalt  }
0x68: {  	_ =	shalt  }
0x69: {  	_ =	shalt  }
0x6a: {  	_ =	shalt  }
0x6b: {  	_ =	shalt  }
0x6c: {  	_ =	shalt  }
0x6d: {  	_ =	shalt  }
0x6e: {  	_ =	shalt  }
0x6f: {  	_ =	shalt  }
0x70: {  	_ =	shalt  }
0x71: {  	_ =	shalt  }
0x72: {  	_ =	shalt  }
0x73: {  	_ =	shalt  }
0x74: {  	_ =	shalt  }
0x75: {  	_ =	shalt  }
0x76: {  	_ =	shalt  }
0x77: {  	_ =	shalt  }
0x78: {  	_ =	shalt  }
0x79: {  	_ =	shalt  }
0x7a: {  	_ =	shalt  }
0x7b: {  	_ =	shalt  }
0x7c: {  	_ =	shalt  }
0x7d: {  	_ =	shalt  }
0x7e: {  	_ =	shalt  }
0x7f: {  	_ =	shalt  }
0x80: {  	_ =	shalt  }
0x81: {  	_ =	shalt  }
0x82: {  	_ =	shalt  }
0x83: {  	_ =	shalt  }
0x84: {  	_ =	shalt  }
0x85: {  	_ =	shalt  }
0x86: {  	_ =	shalt  }
0x87: {  	_ =	shalt  }
.Lfunc_end0:
.L_simem_size_0:
called_computation_lowered:
.L_overlay_start_0:
0x88: {  	s2 =	sld [smem:$0x3FD9]  }
0x89: {  	s3 =	sld [smem:$0x3FFE];
	_ =	sdelay $0x1  }
0x8a: {  	s1 =	srdreg.scid  }
0x8b: {  	s0 =	sand.u32 $0x1, s1  }
0x8c: {  	s18 =	sshll.u32 s0, $0xA;
	s2 =	sadd.s32 s3, s2  }
0x8d: {  	s2 =	sadd.s32 s2, s18  }
0x8e: {  	[smem:$0x3FC7] =	sst s2  }
0x8f: {  	_ = 	snop  }
0x90: {  	s2 =	sld [smem:$0x3FD0];
	(tm) =	ssettm $0x1  }
0x91: {  	s19 =	sld [smem:$0x3FFB];
	_ =	sdelay $0x3  }
0x92: {  	_ =	strace s19  }
0x93: {  	s3 =	sld [smem:$0x3FFC];
	_ =	sdelay $0x3  }
0x94: {  	_ =	strace s3  }
0x95: {  	s3 =	sld [smem:$0x3FFD];
	_ =	sdelay $0x3  }
0x96: {  	_ =	strace s3  }
0x97: {  	_ =	strace $0x8FFFFFFF  }
0x98: {  	s20 =	sld [smem:$0x3FDB];
	_ =	sdelay $0x1  }
0x99: {  	s4 =	simm.s32 $_scs_section_size  }
0x9a: {  	s5 =	simm.s32 $_size__tile_overlayer_lowered;
	s6 =	simm.s32 $_tile_overlayer_lowered  }
0x9b: {  	s23 =	simm.s32 $0x1BFF;
	s22 =	sshll.u32 s6, $0x1;
	s3 =	sadd.s32 s4, s20  }
0x9c: {  	s7 =	simm.s32 $0x0;
	s21 =	sshll.u32 s5, $0x1;
	s5 =	sadd.s32 s22, s3  }
0x9d: {  	[timem:s7], [sflag:s23] =	dma.local [hbm:s5], s21  }
0x9e: {  	_ =	swait.ge [sflag:s23], s21  }
0x9f: {  	s4 =	ssub.s32 $0x0, s21;
	[sflag:s23] =	ssyncset.done $0x0  }
0xa0: {  	[sflag:s23] =	ssyncadd.s32 s4;
	_ =	sdelay $0x1  }
0xa1: {  	s24 =	simm.s32 $0x1B8B  }
0xa2: {  	_ =	swait.ge [sflag:s24], $0x1  }
0xa3: {  	[sflag:s24] =	ssyncset.done $0x0  }
0xa4: {  	s25 =	simm.s32 $0x1B8E;
	[sflag:s24] =	ssyncadd.s32 $0xFFFFFFFF  }
0xa5: {  	s26 =	simm.s32 $execute0_lowered;
	[smem:$0x3FD2] =	sst s25  }
0xa6: {  	s4 =	sshll.u32 s26, $0x1;
	_ =	strace $0x80000046;
	[dreg:$0x1] =	wrdreg $0xFFFFFFFF  }
0xa7: {  	s28 =	simm.s32 $_size_execute0_lowered;
	s3 =	sadd.s32 s3, s4;
	[dreg:$0x0] =	wrdreg $0x0  }
0xa8: {  	s4 =	sshll.u32 s28, $0x1;
	[dreg:$0x2] =	wrdreg s3  }
0xa9: {  	[dreg:$0x3] =	wrdreg s4  }
0xaa: {  	[dreg:$0x4] =	wrdreg $0xC0  }
0xab: {  	_ =	task [dreg:s7], $0x5FFFF  }
0xac: {  	[dreg:$0x1] =	wrdreg $0xFFFFFFFF  }
0xad: {  	[dreg:$0x0] =	wrdreg $0x60  }
0xae: {  	[dreg:$0x2] =	wrdreg s2  }
0xaf: {  	[dreg:$0x3] =	wrdreg $0x9  }
0xb0: {  	_ =	task.clear_ibuf [dreg:s7], $0x4FFFF;
	_ =	strace $0x90000046  }
0xb1: {  	s29 =	simm.s32 $0x9;
	_ =	strace $0x80000048  }
0xb2: {  	_ =	swait.ge [sflag:s29], $0x1  }
0xb3: {  	[sflag:s29] =	ssyncadd.s32 $0xFFFFFFFF  }
0xb4: {  	_ =	strace $0x90000048  }
0xb5: {  	_ =	sfence  }
0xb6: {  	s30 =	sld [smem:$0x0];
	_ =	sdelay $0x2  }
0xb7: {  	s31 =	sshll.u32 s1, $0xD;
	s1 =	sshrl.u32 s1, $0x2  }
0xb8: {  	s3 =	sand.u32 $0x4000, s31;
	s1 =	sadd.s32 s1, s30  }
0xb9: {  	s0 =	sor.u32 s3, s0;
	s1 =	sshll.u32 s1, $0x11  }
0xba: {  	s0 =	sor.u32 s1, s0  }
0xbb: {  	s0 =	sadd.s32 $0x8F2B, s0  }
0xbc: {  	[sflag:s0] =	ssyncadd.remote.s32 $0x1  }
0xbd: {  	_ =	sfence.sel $0xFFFF  }
0xbe: {  	[dreg:$0x0] =	wrdreg $0xFFFFFFFF;
	(pc) =	sbr.abs _section_cstart, $3  }
0xbf: {  	[dreg:$0x1] =	wrdreg $0xFFFFFFFF  }
0xc0: {  	_ =	task.clear_ibuf [dreg:s7], $0x2FFFF;
	_ =	strace $0x9FFFFFFF  }
0xc1: {  	(tm) =	ssettm $0x7FFFFFFF  }
tec
execute0_lowered:
.L_overlay_start_1:
0x0: {  	(tag) =	ssettag $0x1  }
0x1: {  	s0 =	srdreg.scid  }
0x2: {  	s3 =	sand.u32 $0x1, s0;
	s0 =	stileid.u32  }
0x3: {  	s4 =	sor.u32 s0, s3  }
0x4: {  	p0 =	sne.s32 s4, $0x0  }
.Ltmp0:
0x5: {  	_ = 	snop;
	(pc) =	sbr.rel @p0 .LBB2_4-.Ltmp0, $3  }
0x6: {  	_ =	sdelay $0x1  }
0x7: {  	s2 =	rddreg [dreg:$0x0]  }
0x8: {  	s1 =	rddreg [dreg:$0x1];
	_ =	strace $0x80000047  }
0x9: {  	v0 =	vimm.f32 $1.600000000e+01;
	vm0 =	vcmask $0x300  }
0xa: {  	vm14 =	vcmask $0x704;
	v0 =	vsel vm0, $0x3F800000, v0  }
0xb: {  	vm15 =	vcmask $0xB08;
	v0 =	vsel vm14, $0x40000000, v0  }
0xc: {  	vm4 =	vcmask $0xF0C;
	v0 =	vsel vm15, $0x40400000, v0  }
0xd: {  	vm5 =	vcmask $0x1310;
	v0 =	vsel vm4, $0x40800000, v0  }
0xe: {  	vm6 =	vcmask $0x1714;
	v0 =	vsel vm5, $0x40A00000, v0  }
0xf: {  	vm7 =	vcmask $0x1B18;
	v0 =	vsel vm6, $0x40C00000, v0  }
0x10: {  	vm8 =	vcmask $0x1F1C;
	v0 =	vsel vm7, $0x40E00000, v0  }
0x11: {  	v1 =	vimm.s32 $0xF0A0500;
	vm9 =	vcmask $0x2320;
	v0 =	vsel vm8, $0x41000000, v0  }
0x12: {  	vm10 =	vcmask $0x2724;
	v1 =	vunpack.c.0.s8.s32 v1;
	v0 =	vsel vm9, $0x41100000, v0  }
0x13: {  	vm1 =	vcmask $0xF00;
	vm11 =	vcmask $0x2B28;
	v2 =	vsel vm10, $0x41200000, v0  }
0x14: {  	vm12 =	vcmask $0x2F2C;
	s4 =	ssub.s32 $0x2, s3;
	v0 =	vnsel vm1, $0xF, v1;
	v1 =	vsel vm11, $0x41300000, v2  }
0x15: {  	vm13 =	vcmask $0x3330;
	s5 =	sshrl.u32 s4, $0x1;
	v1 =	vsel vm12, $0x41400000, v1  }
0x16: {  	vm14 =	vcmask $0x3734;
	s5 =	ssub.s32 s4, s5;
	v2 =	vsel vm13, $0x41500000, v1  }
0x17: {  	vm15 =	vcmask $0x3B38;
	p0 =	sne.s32 s5, $0x1;
	v1 =	vimm.f32 $0.0e+00;
	v2 =	vsel vm14, $0x41600000, v2  }
.Ltmp1:
0x18: {  	s3 =	simm.s32 $0x0;
	[tilespmem:$0x0] =	vst v1;
	v2 =	vsel vm15, $0x41700000, v2;
	(pc) =	sbr.rel @!p0 .LBB2_3-.Ltmp1, $4  }
0x19: {  	s4 =	simm.s32 $0x1;
	[tilespmem:v0+s3+$0x0] =	vst.idx.add.f32.msk $0x7, v2  }
0x1a: {  	[hbm4b:s2+s3] =	stream.linear.scatter [tilespmem:s3], [sflag:$0x1], $0x80, $0x38;
	[tilespmem:$0x80] =	vst v63  }
0x1b: {  	_ =	swait.ge [sflag:s4], $0x80  }
0x1c: {  	s5 =	sadd.s32 $0xFFFFFFFF, s5;
	[sflag:s4] =	ssyncset.done $0x0  }
.LBB2_2:
0x1d: {  	p0 =	sne.s32 s5, $0x1;
	s5 =	sadd.s32 $0xFFFFFFFF, s5;
	[sflag:s4] =	ssyncadd.s32 $0xFFFFFF80  }
.Ltmp2:
0x1e: {  	[tilespmem:$0x0] =	vst v1;
	(pc) =	sbr.rel @p0 .LBB2_2-.Ltmp2, $4  }
0x1f: {  	[tilespmem:v0+s3+$0x0] =	vst.idx.add.f32.msk $0x7, v2  }
0x20: {  	[hbm4b:s2+s3] =	stream.linear.scatter [tilespmem:s3], [sflag:$0x1], $0x80, $0x38;
	[tilespmem:$0x80] =	vst v63  }
0x21: {  	_ =	swait.ge [sflag:s4], $0x80  }
0x22: {  	[sflag:s4] =	ssyncset.done $0x0  }
.LBB2_3:
0x23: {  	[sflag:s4] =	ssyncadd.s32 $0xFFFFFF80  }
.LBB2_4:
0x24: {  	_ =	sfence.sel $0x180000  }
0x25: {  	[bflag:$0x0] =	sbarrier.arrive $0xFFFF  }
0x26: {  	p0 =	sne.s32 s0, $0x0;
	_ =	strace $0x90000047  }
0x27: {  	s0 =	sadd.s32 @!p0 $0x100000, s1;
	[bflag:$0x2] =	sbarrier.arrive $0xFFFF  }
0x28: {  	[sflag:s0] =	ssyncadd.tile.s32 @!p0 $0x1;
	_ =	shalt  }
.Lfunc_end2:
_tile_overlayer_lowered:
.L_overlay_start_2:
0x29: {  	(tag) =	ssettag $0x2  }
0x2a: {  	s0 =	rddreg [dreg:$0x0];
	s2 =	stileid.u32  }
0x2b: {  	s1 =	rddreg [dreg:$0x1];
	p0 =	sne.s32 s2, $0x0  }
0x2c: {  	s3 =	rddreg [dreg:$0x2];
	[bflag:$0x3] =	sbarrier.arrive $0xFFFF;
	s2 =	simm.s32 @!p0 $0x1C01  }
0x2d: {  	[timem:s3], [sflag:s2] =	dma.local @!p0 [hbm:s0], s1  }
0x2e: {  	s0 =	simm.s32 @!p0 $0x1  }
0x2f: {  	_ =	swait.ge @!p0 [sflag:s0], s1  }
0x30: {  	s1 =	ssub.s32 @!p0 $0x0, s1;
	[sflag:s0] =	ssyncset.done @!p0 $0x0  }
0x31: {  	[sflag:s0] =	ssyncadd.s32 @!p0 s1  }
0x32: {  	[bflag:$0x3] =	sbarrier.arrive $0xFFFF  }
0x33: {  	_ =	shalt  }

</sc_bundles>
